<compile_context>
chip_gen: v7x
topology: tpu7x:2x2x1
jax: 0.10.2.dev20260603
libtpu: 0.0.44.dev20260713+nightly
codegen_flags: <defaults>
</compile_context>

<pallas_src>
import functools

import jax
import jax.numpy as jnp
from jax import lax
from jax.experimental import pallas as pl
from jax.experimental.pallas import tpu as pltpu
from jax.experimental.pallas import tpu_sc as plsc

_TIMESTEPS = 1000
_N = 16384
_NS = 16
_CHUNK = _N // _NS
_LANES = 16
_G = 1001

_mesh = plsc.VectorSubcoreMesh(
    core_axis_name="c", subcore_axis_name="s", num_cores=1
)


@functools.partial(
    pl.kernel,
    mesh=_mesh,
    out_type=jax.ShapeDtypeStruct((_N,), jnp.float32),
    compiler_params=pltpu.CompilerParams(
        needs_layout_passes=False, use_tc_tiling_on_sc=False
    ),
    scratch_types=[
        pltpu.VMEM((_G,), jnp.float32),
        pltpu.VMEM_SHARED((_G,), jnp.float32),
        pltpu.VMEM((_CHUNK,), jnp.float32),
        pltpu.VMEM((_CHUNK,), jnp.float32),
        pltpu.SemaphoreType.DMA,
        pltpu.SemaphoreType.DMA,
        pltpu.SemaphoreType.DMA,
    ],
)
def _sc_lookup(t_hbm, gamma_hbm, out_hbm, gamma_v, gamma_sh, t_v, o_v, sem_g,
               sem_t, sem_o):
    sid = lax.axis_index("s")
    base = sid * _CHUNK
    cp_t = pltpu.async_copy(t_hbm.at[pl.ds(base, _CHUNK)], t_v, sem_t)

    @pl.when(sid == 0)
    def _():
        pltpu.sync_copy(gamma_hbm, gamma_sh)

    plsc.subcore_barrier()
    cp_g = pltpu.async_copy(gamma_sh, gamma_v, sem_g)
    cp_g.wait()
    cp_t.wait()

    magic_f = jnp.float32(8388608.0)
    magic_i = jnp.int32(0x4B000000)

    def body(i, carry):
        y = t_v[pl.ds(i * _LANES, _LANES)] * jnp.float32(_TIMESTEPS) + magic_f
        idx = plsc.bitcast(y, jnp.int32) - magic_i
        o_v[pl.ds(i * _LANES, _LANES)] = plsc.load_gather(gamma_v, [idx])
        return carry

    half = _CHUNK // 2
    half_vregs = half // _LANES
    lax.fori_loop(0, half_vregs, body, 0, unroll=8)
    cp_o1 = pltpu.async_copy(
        o_v.at[pl.ds(0, half)], out_hbm.at[pl.ds(base, half)], sem_o
    )
    lax.fori_loop(half_vregs, 2 * half_vregs, body, 0, unroll=8)
    cp_o2 = pltpu.async_copy(
        o_v.at[pl.ds(half, half)], out_hbm.at[pl.ds(base + half, half)], sem_o
    )
    cp_o1.wait()
    cp_o2.wait()


def kernel(t, gamma):
    out = _sc_lookup(t.reshape(_N), gamma)
    return out.reshape(t.shape)

# --- scband reference (transcript-rebuilt; emitter-appended) ---
"""Pipeline reference for scband-predefined-noise-schedule-4587025072252 (READ-ONLY COPY).

The authoritative reference and input builder live on the scoring server;
editing this copy changes nothing except your own understanding.
"""

import jax, jax.numpy as jnp
import numpy as np

TIMESTEPS = 1000
S_POLY = 1e-05
POWER = 2.0

def clip_noise_schedule(alphas_cumprod, clip_min=0.001):
    alphas_cumprod = np.concatenate([np.ones(1), alphas_cumprod], axis=0)
    alphas = alphas_cumprod[1:] / alphas_cumprod[:-1]
    alphas = np.clip(alphas, a_min=clip_min, a_max=1.0)
    return np.cumprod(alphas, axis=0)

def polynomial_schedule(timesteps, s=1e-05, power=2.0):
    T = timesteps + 1
    t = np.linspace(0, T, T)
    f = (1 - np.power(t / T, power)) ** 2
    f = clip_noise_schedule(f, clip_min=0.001)
    alphas_cumprod = (1 - 2 * s) * f + s
    return alphas_cumprod

def build_gamma():
    alphas_cumprod = polynomial_schedule(TIMESTEPS, s=S_POLY, power=POWER)
    gamma = np.log(alphas_cumprod) - np.log(1.0 - alphas_cumprod)
    return jnp.asarray(gamma, dtype=jnp.float32)

def setup_inputs(seed: int = 0) -> dict:
    key = jax.random.key(seed)
    t = jax.random.uniform(key, (16384, 1), dtype=jnp.float32)
    gamma = build_gamma()
    return {"t": t, "gamma": gamma}

def reference(t, gamma):
    t_int = jnp.round(t * TIMESTEPS).astype(jnp.int32)
    return jnp.take(gamma, t_int, axis=0)

if __name__ == "__main__":
    import jax
    _d = setup_inputs()
    print(jax.jit(kernel)(*tuple(_d.values())))

</pallas_src>

<mosaic_0001>
#map = affine_map<(d0, d1) -> (0)>
module attributes {stable_mosaic.version = 14 : i64} {
  func.func @_sc_lookup(%arg0: i32, %arg1: i32, %arg2: memref<16384xf32, #tpu.memory_space<hbm>>, %arg3: memref<1001xf32, #tpu.memory_space<hbm>>, %arg4: memref<16384xf32, #tpu.memory_space<hbm>>, %arg5: memref<1001xf32, #tpu.memory_space<vmem>>, %arg6: memref<1001xf32, #tpu.memory_space<vmem_shared>>, %arg7: memref<1024xf32, #tpu.memory_space<vmem>>, %arg8: memref<1024xf32, #tpu.memory_space<vmem>>, %arg9: memref<!tpu.dma_semaphore, #tpu.memory_space<semaphore_mem>>, %arg10: memref<!tpu.dma_semaphore, #tpu.memory_space<semaphore_mem>>, %arg11: memref<!tpu.dma_semaphore, #tpu.memory_space<semaphore_mem>>) attributes {dimension_semantics = [#tpu.dimension_semantics<core_parallel>, #tpu.dimension_semantics<subcore_parallel>], iteration_bounds = array<i64: 1, 16>, scalar_prefetch = 0 : i64, scratch_operands = 7 : i64, tpu.core_type = #tpu.core_type<sc_vector_subcore>, window_params = [{transform_indices = #map}, {transform_indices = #map}, {transform_indices = #map}]} {
    %mul3A = arith.constant 1024 : i32
    %mul3A_0 = arith.muli %arg1, %mul3A : i32
    %dma_start3A = tpu.memref_slice %arg2[%mul3A_0] : memref<16384xf32, #tpu.memory_space<hbm>> -> memref<1024xf32, #tpu.memory_space<hbm>>
    %dma_start3A_1 = tpu.memref_slice %arg2[%mul3A_0] : memref<16384xf32, #tpu.memory_space<hbm>> -> memref<1024xf32, #tpu.memory_space<hbm>>
    tpu.enqueue_dma source(%dma_start3A_1 : memref<1024xf32, #tpu.memory_space<hbm>>) target(%arg7 : memref<1024xf32, #tpu.memory_space<vmem>>) target_semaphore(%arg10 : memref<!tpu.dma_semaphore, #tpu.memory_space<semaphore_mem>>)
    %eq3A = arith.constant 0 : i32
    %eq3A_2 = arith.cmpi eq, %arg1, %eq3A : i32
    %convert_element_type3A = arith.extui %eq3A_2 : i1 to i32
    %cond3A = arith.constant 0 : i32
    %cond3A_3 = arith.cmpi ne, %convert_element_type3A, %cond3A : i32
    scf.if %cond3A_3 {
      "tpu.region"() ({
        %run_scoped3A = tpu.sem_alloc : memref<!tpu.dma_semaphore, #tpu.memory_space<semaphore_mem>>
        tpu.enqueue_dma source(%arg3 : memref<1001xf32, #tpu.memory_space<hbm>>) target(%arg6 : memref<1001xf32, #tpu.memory_space<vmem_shared>>) target_semaphore(%run_scoped3A : memref<!tpu.dma_semaphore, #tpu.memory_space<semaphore_mem>>)
        tpu.wait_dma2 semaphore(%run_scoped3A : memref<!tpu.dma_semaphore, #tpu.memory_space<semaphore_mem>>) src(%arg3 : memref<1001xf32, #tpu.memory_space<hbm>>) dst(%arg6 : memref<1001xf32, #tpu.memory_space<vmem_shared>>)
        tpu.yield
      }) : () -> ()
    } else {
    }
    %barrier3A = arith.constant 0 : index
    tpu.barrier barrier_id(%barrier3A)
    tpu.enqueue_dma source(%arg6 : memref<1001xf32, #tpu.memory_space<vmem_shared>>) target(%arg5 : memref<1001xf32, #tpu.memory_space<vmem>>) target_semaphore(%arg9 : memref<!tpu.dma_semaphore, #tpu.memory_space<semaphore_mem>>)
    tpu.wait_dma2 semaphore(%arg9 : memref<!tpu.dma_semaphore, #tpu.memory_space<semaphore_mem>>) src(%arg6 : memref<1001xf32, #tpu.memory_space<vmem_shared>>) dst(%arg5 : memref<1001xf32, #tpu.memory_space<vmem>>)
    %dma_wait3A = tpu.memref_slice %arg2[%mul3A_0] : memref<16384xf32, #tpu.memory_space<hbm>> -> memref<1024xf32, #tpu.memory_space<hbm>>
    %dma_wait3A_4 = tpu.memref_slice %arg2[%mul3A_0] : memref<16384xf32, #tpu.memory_space<hbm>> -> memref<1024xf32, #tpu.memory_space<hbm>>
    tpu.wait_dma2 semaphore(%arg10 : memref<!tpu.dma_semaphore, #tpu.memory_space<semaphore_mem>>) src(%dma_wait3A_4 : memref<1024xf32, #tpu.memory_space<hbm>>) dst(%arg7 : memref<1024xf32, #tpu.memory_space<vmem>>)
    %scan3A = arith.constant 0 : i32
    %scan3A_5 = arith.constant 0x4B000000 : f32
    %scan3A_6 = arith.constant 1258291200 : i32
    %scan3A_7 = arith.constant 0 : i32
    %scan3A_8 = arith.constant 32 : i32
    %scan3A_9 = arith.addi %scan3A_7, %scan3A_8 : i32
    %scan3A_10 = arith.constant 8 : i32
    scf.for %scan3A_45 = %scan3A_7 to %scan3A_9 step %scan3A_10  : i32 {
      %mul3A_46 = arith.constant 16 : i32
      %mul3A_47 = arith.muli %scan3A_45, %mul3A_46 : i32
      %get3A = arith.index_cast %mul3A_47 : i32 to index
      %get3A_48 = tpu.vector_load %arg7[%get3A] {strides = array<i32>} : memref<1024xf32, #tpu.memory_space<vmem>>, vector<16xf32>,
      %mul3A_49 = arith.constant 1.000000e+03 : f32
      %mul3A_50 = vector.broadcast %mul3A_49 : f32 to vector<16xf32>
      %mul3A_51 = arith.mulf %get3A_48, %mul3A_50 : vector<16xf32>
      %add3A_52 = vector.broadcast %scan3A_5 : f32 to vector<16xf32>
      %add3A_53 = arith.addf %mul3A_51, %add3A_52 : vector<16xf32>
      %bitcast3A = vector.bitcast %add3A_53 : vector<16xf32> to vector<16xi32>
      %sub3A = vector.broadcast %scan3A_6 : i32 to vector<16xi32>
      %sub3A_54 = arith.subi %bitcast3A, %sub3A : vector<16xi32>
      %gather3A = tpu.vector_load_idx %arg5[%sub3A_54] : memref<1001xf32, #tpu.memory_space<vmem>>[vector<16xi32>], vector<16xf32>,
      %mul3A_55 = arith.constant 16 : i32
      %mul3A_56 = arith.muli %scan3A_45, %mul3A_55 : i32
      %swap3A = arith.index_cast %mul3A_56 : i32 to index
      %swap3A_57 = tpu.vector_load %arg8[%swap3A] {strides = array<i32>} : memref<1024xf32, #tpu.memory_space<vmem>>, vector<16xf32>,
      tpu.vector_store %arg8[%swap3A], %gather3A {strides = array<i32>} : memref<1024xf32, #tpu.memory_space<vmem>>, vector<16xf32>,
      %scan3A_58 = arith.constant 1 : i32
      %scan3A_59 = arith.addi %scan3A_45, %scan3A_58 : i32
      %mul3A_60 = arith.constant 16 : i32
      %mul3A_61 = arith.muli %scan3A_59, %mul3A_60 : i32
      %get3A_62 = arith.index_cast %mul3A_61 : i32 to index
      %get3A_63 = tpu.vector_load %arg7[%get3A_62] {strides = array<i32>} : memref<1024xf32, #tpu.memory_space<vmem>>, vector<16xf32>,
      %mul3A_64 = arith.constant 1.000000e+03 : f32
      %mul3A_65 = vector.broadcast %mul3A_64 : f32 to vector<16xf32>
      %mul3A_66 = arith.mulf %get3A_63, %mul3A_65 : vector<16xf32>
      %add3A_67 = vector.broadcast %scan3A_5 : f32 to vector<16xf32>
      %add3A_68 = arith.addf %mul3A_66, %add3A_67 : vector<16xf32>
      %bitcast3A_69 = vector.bitcast %add3A_68 : vector<16xf32> to vector<16xi32>
      %sub3A_70 = vector.broadcast %scan3A_6 : i32 to vector<16xi32>
      %sub3A_71 = arith.subi %bitcast3A_69, %sub3A_70 : vector<16xi32>
      %gather3A_72 = tpu.vector_load_idx %arg5[%sub3A_71] : memref<1001xf32, #tpu.memory_space<vmem>>[vector<16xi32>], vector<16xf32>,
      %mul3A_73 = arith.constant 16 : i32
      %mul3A_74 = arith.muli %scan3A_59, %mul3A_73 : i32
      %swap3A_75 = arith.index_cast %mul3A_74 : i32 to index
      %swap3A_76 = tpu.vector_load %arg8[%swap3A_75] {strides = array<i32>} : memref<1024xf32, #tpu.memory_space<vmem>>, vector<16xf32>,
      tpu.vector_store %arg8[%swap3A_75], %gather3A_72 {strides = array<i32>} : memref<1024xf32, #tpu.memory_space<vmem>>, vector<16xf32>,
      %scan3A_77 = arith.constant 2 : i32
      %scan3A_78 = arith.addi %scan3A_45, %scan3A_77 : i32
      %mul3A_79 = arith.constant 16 : i32
      %mul3A_80 = arith.muli %scan3A_78, %mul3A_79 : i32
      %get3A_81 = arith.index_cast %mul3A_80 : i32 to index
      %get3A_82 = tpu.vector_load %arg7[%get3A_81] {strides = array<i32>} : memref<1024xf32, #tpu.memory_space<vmem>>, vector<16xf32>,
      %mul3A_83 = arith.constant 1.000000e+03 : f32
      %mul3A_84 = vector.broadcast %mul3A_83 : f32 to vector<16xf32>
      %mul3A_85 = arith.mulf %get3A_82, %mul3A_84 : vector<16xf32>
      %add3A_86 = vector.broadcast %scan3A_5 : f32 to vector<16xf32>
      %add3A_87 = arith.addf %mul3A_85, %add3A_86 : vector<16xf32>
      %bitcast3A_88 = vector.bitcast %add3A_87 : vector<16xf32> to vector<16xi32>
      %sub3A_89 = vector.broadcast %scan3A_6 : i32 to vector<16xi32>
      %sub3A_90 = arith.subi %bitcast3A_88, %sub3A_89 : vector<16xi32>
      %gather3A_91 = tpu.vector_load_idx %arg5[%sub3A_90] : memref<1001xf32, #tpu.memory_space<vmem>>[vector<16xi32>], vector<16xf32>,
      %mul3A_92 = arith.constant 16 : i32
      %mul3A_93 = arith.muli %scan3A_78, %mul3A_92 : i32
      %swap3A_94 = arith.index_cast %mul3A_93 : i32 to index
      %swap3A_95 = tpu.vector_load %arg8[%swap3A_94] {strides = array<i32>} : memref<1024xf32, #tpu.memory_space<vmem>>, vector<16xf32>,
      tpu.vector_store %arg8[%swap3A_94], %gather3A_91 {strides = array<i32>} : memref<1024xf32, #tpu.memory_space<vmem>>, vector<16xf32>,
      %scan3A_96 = arith.constant 3 : i32
      %scan3A_97 = arith.addi %scan3A_45, %scan3A_96 : i32
      %mul3A_98 = arith.constant 16 : i32
      %mul3A_99 = arith.muli %scan3A_97, %mul3A_98 : i32
      %get3A_100 = arith.index_cast %mul3A_99 : i32 to index
      %get3A_101 = tpu.vector_load %arg7[%get3A_100] {strides = array<i32>} : memref<1024xf32, #tpu.memory_space<vmem>>, vector<16xf32>,
      %mul3A_102 = arith.constant 1.000000e+03 : f32
      %mul3A_103 = vector.broadcast %mul3A_102 : f32 to vector<16xf32>
      %mul3A_104 = arith.mulf %get3A_101, %mul3A_103 : vector<16xf32>
      %add3A_105 = vector.broadcast %scan3A_5 : f32 to vector<16xf32>
      %add3A_106 = arith.addf %mul3A_104, %add3A_105 : vector<16xf32>
      %bitcast3A_107 = vector.bitcast %add3A_106 : vector<16xf32> to vector<16xi32>
      %sub3A_108 = vector.broadcast %scan3A_6 : i32 to vector<16xi32>
      %sub3A_109 = arith.subi %bitcast3A_107, %sub3A_108 : vector<16xi32>
      %gather3A_110 = tpu.vector_load_idx %arg5[%sub3A_109] : memref<1001xf32, #tpu.memory_space<vmem>>[vector<16xi32>], vector<16xf32>,
      %mul3A_111 = arith.constant 16 : i32
      %mul3A_112 = arith.muli %scan3A_97, %mul3A_111 : i32
      %swap3A_113 = arith.index_cast %mul3A_112 : i32 to index
      %swap3A_114 = tpu.vector_load %arg8[%swap3A_113] {strides = array<i32>} : memref<1024xf32, #tpu.memory_space<vmem>>, vector<16xf32>,
      tpu.vector_store %arg8[%swap3A_113], %gather3A_110 {strides = array<i32>} : memref<1024xf32, #tpu.memory_space<vmem>>, vector<16xf32>,
      %scan3A_115 = arith.constant 4 : i32
      %scan3A_116 = arith.addi %scan3A_45, %scan3A_115 : i32
      %mul3A_117 = arith.constant 16 : i32
      %mul3A_118 = arith.muli %scan3A_116, %mul3A_117 : i32
      %get3A_119 = arith.index_cast %mul3A_118 : i32 to index
      %get3A_120 = tpu.vector_load %arg7[%get3A_119] {strides = array<i32>} : memref<1024xf32, #tpu.memory_space<vmem>>, vector<16xf32>,
      %mul3A_121 = arith.constant 1.000000e+03 : f32
      %mul3A_122 = vector.broadcast %mul3A_121 : f32 to vector<16xf32>
      %mul3A_123 = arith.mulf %get3A_120, %mul3A_122 : vector<16xf32>
      %add3A_124 = vector.broadcast %scan3A_5 : f32 to vector<16xf32>
      %add3A_125 = arith.addf %mul3A_123, %add3A_124 : vector<16xf32>
      %bitcast3A_126 = vector.bitcast %add3A_125 : vector<16xf32> to vector<16xi32>
      %sub3A_127 = vector.broadcast %scan3A_6 : i32 to vector<16xi32>
      %sub3A_128 = arith.subi %bitcast3A_126, %sub3A_127 : vector<16xi32>
      %gather3A_129 = tpu.vector_load_idx %arg5[%sub3A_128] : memref<1001xf32, #tpu.memory_space<vmem>>[vector<16xi32>], vector<16xf32>,
      %mul3A_130 = arith.constant 16 : i32
      %mul3A_131 = arith.muli %scan3A_116, %mul3A_130 : i32
      %swap3A_132 = arith.index_cast %mul3A_131 : i32 to index
      %swap3A_133 = tpu.vector_load %arg8[%swap3A_132] {strides = array<i32>} : memref<1024xf32, #tpu.memory_space<vmem>>, vector<16xf32>,
      tpu.vector_store %arg8[%swap3A_132], %gather3A_129 {strides = array<i32>} : memref<1024xf32, #tpu.memory_space<vmem>>, vector<16xf32>,
      %scan3A_134 = arith.constant 5 : i32
      %scan3A_135 = arith.addi %scan3A_45, %scan3A_134 : i32
      %mul3A_136 = arith.constant 16 : i32
      %mul3A_137 = arith.muli %scan3A_135, %mul3A_136 : i32
      %get3A_138 = arith.index_cast %mul3A_137 : i32 to index
      %get3A_139 = tpu.vector_load %arg7[%get3A_138] {strides = array<i32>} : memref<1024xf32, #tpu.memory_space<vmem>>, vector<16xf32>,
      %mul3A_140 = arith.constant 1.000000e+03 : f32
      %mul3A_141 = vector.broadcast %mul3A_140 : f32 to vector<16xf32>
      %mul3A_142 = arith.mulf %get3A_139, %mul3A_141 : vector<16xf32>
      %add3A_143 = vector.broadcast %scan3A_5 : f32 to vector<16xf32>
      %add3A_144 = arith.addf %mul3A_142, %add3A_143 : vector<16xf32>
      %bitcast3A_145 = vector.bitcast %add3A_144 : vector<16xf32> to vector<16xi32>
      %sub3A_146 = vector.broadcast %scan3A_6 : i32 to vector<16xi32>
      %sub3A_147 = arith.subi %bitcast3A_145, %sub3A_146 : vector<16xi32>
      %gather3A_148 = tpu.vector_load_idx %arg5[%sub3A_147] : memref<1001xf32, #tpu.memory_space<vmem>>[vector<16xi32>], vector<16xf32>,
      %mul3A_149 = arith.constant 16 : i32
      %mul3A_150 = arith.muli %scan3A_135, %mul3A_149 : i32
      %swap3A_151 = arith.index_cast %mul3A_150 : i32 to index
      %swap3A_152 = tpu.vector_load %arg8[%swap3A_151] {strides = array<i32>} : memref<1024xf32, #tpu.memory_space<vmem>>, vector<16xf32>,
      tpu.vector_store %arg8[%swap3A_151], %gather3A_148 {strides = array<i32>} : memref<1024xf32, #tpu.memory_space<vmem>>, vector<16xf32>,
      %scan3A_153 = arith.constant 6 : i32
      %scan3A_154 = arith.addi %scan3A_45, %scan3A_153 : i32
      %mul3A_155 = arith.constant 16 : i32
      %mul3A_156 = arith.muli %scan3A_154, %mul3A_155 : i32
      %get3A_157 = arith.index_cast %mul3A_156 : i32 to index
      %get3A_158 = tpu.vector_load %arg7[%get3A_157] {strides = array<i32>} : memref<1024xf32, #tpu.memory_space<vmem>>, vector<16xf32>,
      %mul3A_159 = arith.constant 1.000000e+03 : f32
      %mul3A_160 = vector.broadcast %mul3A_159 : f32 to vector<16xf32>
      %mul3A_161 = arith.mulf %get3A_158, %mul3A_160 : vector<16xf32>
      %add3A_162 = vector.broadcast %scan3A_5 : f32 to vector<16xf32>
      %add3A_163 = arith.addf %mul3A_161, %add3A_162 : vector<16xf32>
      %bitcast3A_164 = vector.bitcast %add3A_163 : vector<16xf32> to vector<16xi32>
      %sub3A_165 = vector.broadcast %scan3A_6 : i32 to vector<16xi32>
      %sub3A_166 = arith.subi %bitcast3A_164, %sub3A_165 : vector<16xi32>
      %gather3A_167 = tpu.vector_load_idx %arg5[%sub3A_166] : memref<1001xf32, #tpu.memory_space<vmem>>[vector<16xi32>], vector<16xf32>,
      %mul3A_168 = arith.constant 16 : i32
      %mul3A_169 = arith.muli %scan3A_154, %mul3A_168 : i32
      %swap3A_170 = arith.index_cast %mul3A_169 : i32 to index
      %swap3A_171 = tpu.vector_load %arg8[%swap3A_170] {strides = array<i32>} : memref<1024xf32, #tpu.memory_space<vmem>>, vector<16xf32>,
      tpu.vector_store %arg8[%swap3A_170], %gather3A_167 {strides = array<i32>} : memref<1024xf32, #tpu.memory_space<vmem>>, vector<16xf32>,
      %scan3A_172 = arith.constant 7 : i32
      %scan3A_173 = arith.addi %scan3A_45, %scan3A_172 : i32
      %mul3A_174 = arith.constant 16 : i32
      %mul3A_175 = arith.muli %scan3A_173, %mul3A_174 : i32
      %get3A_176 = arith.index_cast %mul3A_175 : i32 to index
      %get3A_177 = tpu.vector_load %arg7[%get3A_176] {strides = array<i32>} : memref<1024xf32, #tpu.memory_space<vmem>>, vector<16xf32>,
      %mul3A_178 = arith.constant 1.000000e+03 : f32
      %mul3A_179 = vector.broadcast %mul3A_178 : f32 to vector<16xf32>
      %mul3A_180 = arith.mulf %get3A_177, %mul3A_179 : vector<16xf32>
      %add3A_181 = vector.broadcast %scan3A_5 : f32 to vector<16xf32>
      %add3A_182 = arith.addf %mul3A_180, %add3A_181 : vector<16xf32>
      %bitcast3A_183 = vector.bitcast %add3A_182 : vector<16xf32> to vector<16xi32>
      %sub3A_184 = vector.broadcast %scan3A_6 : i32 to vector<16xi32>
      %sub3A_185 = arith.subi %bitcast3A_183, %sub3A_184 : vector<16xi32>
      %gather3A_186 = tpu.vector_load_idx %arg5[%sub3A_185] : memref<1001xf32, #tpu.memory_space<vmem>>[vector<16xi32>], vector<16xf32>,
      %mul3A_187 = arith.constant 16 : i32
      %mul3A_188 = arith.muli %scan3A_173, %mul3A_187 : i32
      %swap3A_189 = arith.index_cast %mul3A_188 : i32 to index
      %swap3A_190 = tpu.vector_load %arg8[%swap3A_189] {strides = array<i32>} : memref<1024xf32, #tpu.memory_space<vmem>>, vector<16xf32>,
      tpu.vector_store %arg8[%swap3A_189], %gather3A_186 {strides = array<i32>} : memref<1024xf32, #tpu.memory_space<vmem>>, vector<16xf32>,
    }
    %scan3A_11 = arith.constant 32 : i32
    %dma_start3A_12 = arith.constant 0 : i32
    %dma_start3A_13 = tpu.memref_slice %arg8[%dma_start3A_12] : memref<1024xf32, #tpu.memory_space<vmem>> -> memref<512xf32, #tpu.memory_space<vmem>>
    %dma_start3A_14 = tpu.memref_slice %arg4[%mul3A_0] : memref<16384xf32, #tpu.memory_space<hbm>> -> memref<512xf32, #tpu.memory_space<hbm>>
    %dma_start3A_15 = tpu.memref_slice %arg4[%mul3A_0] : memref<16384xf32, #tpu.memory_space<hbm>> -> memref<512xf32, #tpu.memory_space<hbm>>
    %dma_start3A_16 = arith.constant 0 : i32
    %dma_start3A_17 = tpu.memref_slice %arg8[%dma_start3A_16] : memref<1024xf32, #tpu.memory_space<vmem>> -> memref<512xf32, #tpu.memory_space<vmem>>
    tpu.enqueue_dma source(%dma_start3A_17 : memref<512xf32, #tpu.memory_space<vmem>>) target(%dma_start3A_15 : memref<512xf32, #tpu.memory_space<hbm>>) target_semaphore(%arg11 : memref<!tpu.dma_semaphore, #tpu.memory_space<semaphore_mem>>)
    %scan3A_18 = arith.constant 0 : i32
    %scan3A_19 = arith.constant 0x4B000000 : f32
    %scan3A_20 = arith.constant 1258291200 : i32
    %scan3A_21 = arith.constant 32 : i32
    %scan3A_22 = arith.constant 32 : i32
    %scan3A_23 = arith.addi %scan3A_21, %scan3A_22 : i32
    %scan3A_24 = arith.constant 8 : i32
    scf.for %scan3A_45 = %scan3A_21 to %scan3A_23 step %scan3A_24  : i32 {
      %mul3A_46 = arith.constant 16 : i32
      %mul3A_47 = arith.muli %scan3A_45, %mul3A_46 : i32
      %get3A = arith.index_cast %mul3A_47 : i32 to index
      %get3A_48 = tpu.vector_load %arg7[%get3A] {strides = array<i32>} : memref<1024xf32, #tpu.memory_space<vmem>>, vector<16xf32>,
      %mul3A_49 = arith.constant 1.000000e+03 : f32
      %mul3A_50 = vector.broadcast %mul3A_49 : f32 to vector<16xf32>
      %mul3A_51 = arith.mulf %get3A_48, %mul3A_50 : vector<16xf32>
      %add3A_52 = vector.broadcast %scan3A_19 : f32 to vector<16xf32>
      %add3A_53 = arith.addf %mul3A_51, %add3A_52 : vector<16xf32>
      %bitcast3A = vector.bitcast %add3A_53 : vector<16xf32> to vector<16xi32>
      %sub3A = vector.broadcast %scan3A_20 : i32 to vector<16xi32>
      %sub3A_54 = arith.subi %bitcast3A, %sub3A : vector<16xi32>
      %gather3A = tpu.vector_load_idx %arg5[%sub3A_54] : memref<1001xf32, #tpu.memory_space<vmem>>[vector<16xi32>], vector<16xf32>,
      %mul3A_55 = arith.constant 16 : i32
      %mul3A_56 = arith.muli %scan3A_45, %mul3A_55 : i32
      %swap3A = arith.index_cast %mul3A_56 : i32 to index
      %swap3A_57 = tpu.vector_load %arg8[%swap3A] {strides = array<i32>} : memref<1024xf32, #tpu.memory_space<vmem>>, vector<16xf32>,
      tpu.vector_store %arg8[%swap3A], %gather3A {strides = array<i32>} : memref<1024xf32, #tpu.memory_space<vmem>>, vector<16xf32>,
      %scan3A_58 = arith.constant 1 : i32
      %scan3A_59 = arith.addi %scan3A_45, %scan3A_58 : i32
      %mul3A_60 = arith.constant 16 : i32
      %mul3A_61 = arith.muli %scan3A_59, %mul3A_60 : i32
      %get3A_62 = arith.index_cast %mul3A_61 : i32 to index
      %get3A_63 = tpu.vector_load %arg7[%get3A_62] {strides = array<i32>} : memref<1024xf32, #tpu.memory_space<vmem>>, vector<16xf32>,
      %mul3A_64 = arith.constant 1.000000e+03 : f32
      %mul3A_65 = vector.broadcast %mul3A_64 : f32 to vector<16xf32>
      %mul3A_66 = arith.mulf %get3A_63, %mul3A_65 : vector<16xf32>
      %add3A_67 = vector.broadcast %scan3A_19 : f32 to vector<16xf32>
      %add3A_68 = arith.addf %mul3A_66, %add3A_67 : vector<16xf32>
      %bitcast3A_69 = vector.bitcast %add3A_68 : vector<16xf32> to vector<16xi32>
      %sub3A_70 = vector.broadcast %scan3A_20 : i32 to vector<16xi32>
      %sub3A_71 = arith.subi %bitcast3A_69, %sub3A_70 : vector<16xi32>
      %gather3A_72 = tpu.vector_load_idx %arg5[%sub3A_71] : memref<1001xf32, #tpu.memory_space<vmem>>[vector<16xi32>], vector<16xf32>,
      %mul3A_73 = arith.constant 16 : i32
      %mul3A_74 = arith.muli %scan3A_59, %mul3A_73 : i32
      %swap3A_75 = arith.index_cast %mul3A_74 : i32 to index
      %swap3A_76 = tpu.vector_load %arg8[%swap3A_75] {strides = array<i32>} : memref<1024xf32, #tpu.memory_space<vmem>>, vector<16xf32>,
      tpu.vector_store %arg8[%swap3A_75], %gather3A_72 {strides = array<i32>} : memref<1024xf32, #tpu.memory_space<vmem>>, vector<16xf32>,
      %scan3A_77 = arith.constant 2 : i32
      %scan3A_78 = arith.addi %scan3A_45, %scan3A_77 : i32
      %mul3A_79 = arith.constant 16 : i32
      %mul3A_80 = arith.muli %scan3A_78, %mul3A_79 : i32
      %get3A_81 = arith.index_cast %mul3A_80 : i32 to index
      %get3A_82 = tpu.vector_load %arg7[%get3A_81] {strides = array<i32>} : memref<1024xf32, #tpu.memory_space<vmem>>, vector<16xf32>,
      %mul3A_83 = arith.constant 1.000000e+03 : f32
      %mul3A_84 = vector.broadcast %mul3A_83 : f32 to vector<16xf32>
      %mul3A_85 = arith.mulf %get3A_82, %mul3A_84 : vector<16xf32>
      %add3A_86 = vector.broadcast %scan3A_19 : f32 to vector<16xf32>
      %add3A_87 = arith.addf %mul3A_85, %add3A_86 : vector<16xf32>
      %bitcast3A_88 = vector.bitcast %add3A_87 : vector<16xf32> to vector<16xi32>
      %sub3A_89 = vector.broadcast %scan3A_20 : i32 to vector<16xi32>
      %sub3A_90 = arith.subi %bitcast3A_88, %sub3A_89 : vector<16xi32>
      %gather3A_91 = tpu.vector_load_idx %arg5[%sub3A_90] : memref<1001xf32, #tpu.memory_space<vmem>>[vector<16xi32>], vector<16xf32>,
      %mul3A_92 = arith.constant 16 : i32
      %mul3A_93 = arith.muli %scan3A_78, %mul3A_92 : i32
      %swap3A_94 = arith.index_cast %mul3A_93 : i32 to index
      %swap3A_95 = tpu.vector_load %arg8[%swap3A_94] {strides = array<i32>} : memref<1024xf32, #tpu.memory_space<vmem>>, vector<16xf32>,
      tpu.vector_store %arg8[%swap3A_94], %gather3A_91 {strides = array<i32>} : memref<1024xf32, #tpu.memory_space<vmem>>, vector<16xf32>,
      %scan3A_96 = arith.constant 3 : i32
      %scan3A_97 = arith.addi %scan3A_45, %scan3A_96 : i32
      %mul3A_98 = arith.constant 16 : i32
      %mul3A_99 = arith.muli %scan3A_97, %mul3A_98 : i32
      %get3A_100 = arith.index_cast %mul3A_99 : i32 to index
      %get3A_101 = tpu.vector_load %arg7[%get3A_100] {strides = array<i32>} : memref<1024xf32, #tpu.memory_space<vmem>>, vector<16xf32>,
      %mul3A_102 = arith.constant 1.000000e+03 : f32
      %mul3A_103 = vector.broadcast %mul3A_102 : f32 to vector<16xf32>
      %mul3A_104 = arith.mulf %get3A_101, %mul3A_103 : vector<16xf32>
      %add3A_105 = vector.broadcast %scan3A_19 : f32 to vector<16xf32>
      %add3A_106 = arith.addf %mul3A_104, %add3A_105 : vector<16xf32>
      %bitcast3A_107 = vector.bitcast %add3A_106 : vector<16xf32> to vector<16xi32>
      %sub3A_108 = vector.broadcast %scan3A_20 : i32 to vector<16xi32>
      %sub3A_109 = arith.subi %bitcast3A_107, %sub3A_108 : vector<16xi32>
      %gather3A_110 = tpu.vector_load_idx %arg5[%sub3A_109] : memref<1001xf32, #tpu.memory_space<vmem>>[vector<16xi32>], vector<16xf32>,
      %mul3A_111 = arith.constant 16 : i32
      %mul3A_112 = arith.muli %scan3A_97, %mul3A_111 : i32
      %swap3A_113 = arith.index_cast %mul3A_112 : i32 to index
      %swap3A_114 = tpu.vector_load %arg8[%swap3A_113] {strides = array<i32>} : memref<1024xf32, #tpu.memory_space<vmem>>, vector<16xf32>,
      tpu.vector_store %arg8[%swap3A_113], %gather3A_110 {strides = array<i32>} : memref<1024xf32, #tpu.memory_space<vmem>>, vector<16xf32>,
      %scan3A_115 = arith.constant 4 : i32
      %scan3A_116 = arith.addi %scan3A_45, %scan3A_115 : i32
      %mul3A_117 = arith.constant 16 : i32
      %mul3A_118 = arith.muli %scan3A_116, %mul3A_117 : i32
      %get3A_119 = arith.index_cast %mul3A_118 : i32 to index
      %get3A_120 = tpu.vector_load %arg7[%get3A_119] {strides = array<i32>} : memref<1024xf32, #tpu.memory_space<vmem>>, vector<16xf32>,
      %mul3A_121 = arith.constant 1.000000e+03 : f32
      %mul3A_122 = vector.broadcast %mul3A_121 : f32 to vector<16xf32>
      %mul3A_123 = arith.mulf %get3A_120, %mul3A_122 : vector<16xf32>
      %add3A_124 = vector.broadcast %scan3A_19 : f32 to vector<16xf32>
      %add3A_125 = arith.addf %mul3A_123, %add3A_124 : vector<16xf32>
      %bitcast3A_126 = vector.bitcast %add3A_125 : vector<16xf32> to vector<16xi32>
      %sub3A_127 = vector.broadcast %scan3A_20 : i32 to vector<16xi32>
      %sub3A_128 = arith.subi %bitcast3A_126, %sub3A_127 : vector<16xi32>
      %gather3A_129 = tpu.vector_load_idx %arg5[%sub3A_128] : memref<1001xf32, #tpu.memory_space<vmem>>[vector<16xi32>], vector<16xf32>,
      %mul3A_130 = arith.constant 16 : i32
      %mul3A_131 = arith.muli %scan3A_116, %mul3A_130 : i32
      %swap3A_132 = arith.index_cast %mul3A_131 : i32 to index
      %swap3A_133 = tpu.vector_load %arg8[%swap3A_132] {strides = array<i32>} : memref<1024xf32, #tpu.memory_space<vmem>>, vector<16xf32>,
      tpu.vector_store %arg8[%swap3A_132], %gather3A_129 {strides = array<i32>} : memref<1024xf32, #tpu.memory_space<vmem>>, vector<16xf32>,
      %scan3A_134 = arith.constant 5 : i32
      %scan3A_135 = arith.addi %scan3A_45, %scan3A_134 : i32
      %mul3A_136 = arith.constant 16 : i32
      %mul3A_137 = arith.muli %scan3A_135, %mul3A_136 : i32
      %get3A_138 = arith.index_cast %mul3A_137 : i32 to index
      %get3A_139 = tpu.vector_load %arg7[%get3A_138] {strides = array<i32>} : memref<1024xf32, #tpu.memory_space<vmem>>, vector<16xf32>,
      %mul3A_140 = arith.constant 1.000000e+03 : f32
      %mul3A_141 = vector.broadcast %mul3A_140 : f32 to vector<16xf32>
      %mul3A_142 = arith.mulf %get3A_139, %mul3A_141 : vector<16xf32>
      %add3A_143 = vector.broadcast %scan3A_19 : f32 to vector<16xf32>
      %add3A_144 = arith.addf %mul3A_142, %add3A_143 : vector<16xf32>
      %bitcast3A_145 = vector.bitcast %add3A_144 : vector<16xf32> to vector<16xi32>
      %sub3A_146 = vector.broadcast %scan3A_20 : i32 to vector<16xi32>
      %sub3A_147 = arith.subi %bitcast3A_145, %sub3A_146 : vector<16xi32>
      %gather3A_148 = tpu.vector_load_idx %arg5[%sub3A_147] : memref<1001xf32, #tpu.memory_space<vmem>>[vector<16xi32>], vector<16xf32>,
      %mul3A_149 = arith.constant 16 : i32
      %mul3A_150 = arith.muli %scan3A_135, %mul3A_149 : i32
      %swap3A_151 = arith.index_cast %mul3A_150 : i32 to index
      %swap3A_152 = tpu.vector_load %arg8[%swap3A_151] {strides = array<i32>} : memref<1024xf32, #tpu.memory_space<vmem>>, vector<16xf32>,
      tpu.vector_store %arg8[%swap3A_151], %gather3A_148 {strides = array<i32>} : memref<1024xf32, #tpu.memory_space<vmem>>, vector<16xf32>,
      %scan3A_153 = arith.constant 6 : i32
      %scan3A_154 = arith.addi %scan3A_45, %scan3A_153 : i32
      %mul3A_155 = arith.constant 16 : i32
      %mul3A_156 = arith.muli %scan3A_154, %mul3A_155 : i32
      %get3A_157 = arith.index_cast %mul3A_156 : i32 to index
      %get3A_158 = tpu.vector_load %arg7[%get3A_157] {strides = array<i32>} : memref<1024xf32, #tpu.memory_space<vmem>>, vector<16xf32>,
      %mul3A_159 = arith.constant 1.000000e+03 : f32
      %mul3A_160 = vector.broadcast %mul3A_159 : f32 to vector<16xf32>
      %mul3A_161 = arith.mulf %get3A_158, %mul3A_160 : vector<16xf32>
      %add3A_162 = vector.broadcast %scan3A_19 : f32 to vector<16xf32>
      %add3A_163 = arith.addf %mul3A_161, %add3A_162 : vector<16xf32>
      %bitcast3A_164 = vector.bitcast %add3A_163 : vector<16xf32> to vector<16xi32>
      %sub3A_165 = vector.broadcast %scan3A_20 : i32 to vector<16xi32>
      %sub3A_166 = arith.subi %bitcast3A_164, %sub3A_165 : vector<16xi32>
      %gather3A_167 = tpu.vector_load_idx %arg5[%sub3A_166] : memref<1001xf32, #tpu.memory_space<vmem>>[vector<16xi32>], vector<16xf32>,
      %mul3A_168 = arith.constant 16 : i32
      %mul3A_169 = arith.muli %scan3A_154, %mul3A_168 : i32
      %swap3A_170 = arith.index_cast %mul3A_169 : i32 to index
      %swap3A_171 = tpu.vector_load %arg8[%swap3A_170] {strides = array<i32>} : memref<1024xf32, #tpu.memory_space<vmem>>, vector<16xf32>,
      tpu.vector_store %arg8[%swap3A_170], %gather3A_167 {strides = array<i32>} : memref<1024xf32, #tpu.memory_space<vmem>>, vector<16xf32>,
      %scan3A_172 = arith.constant 7 : i32
      %scan3A_173 = arith.addi %scan3A_45, %scan3A_172 : i32
      %mul3A_174 = arith.constant 16 : i32
      %mul3A_175 = arith.muli %scan3A_173, %mul3A_174 : i32
      %get3A_176 = arith.index_cast %mul3A_175 : i32 to index
      %get3A_177 = tpu.vector_load %arg7[%get3A_176] {strides = array<i32>} : memref<1024xf32, #tpu.memory_space<vmem>>, vector<16xf32>,
      %mul3A_178 = arith.constant 1.000000e+03 : f32
      %mul3A_179 = vector.broadcast %mul3A_178 : f32 to vector<16xf32>
      %mul3A_180 = arith.mulf %get3A_177, %mul3A_179 : vector<16xf32>
      %add3A_181 = vector.broadcast %scan3A_19 : f32 to vector<16xf32>
      %add3A_182 = arith.addf %mul3A_180, %add3A_181 : vector<16xf32>
      %bitcast3A_183 = vector.bitcast %add3A_182 : vector<16xf32> to vector<16xi32>
      %sub3A_184 = vector.broadcast %scan3A_20 : i32 to vector<16xi32>
      %sub3A_185 = arith.subi %bitcast3A_183, %sub3A_184 : vector<16xi32>
      %gather3A_186 = tpu.vector_load_idx %arg5[%sub3A_185] : memref<1001xf32, #tpu.memory_space<vmem>>[vector<16xi32>], vector<16xf32>,
      %mul3A_187 = arith.constant 16 : i32
      %mul3A_188 = arith.muli %scan3A_173, %mul3A_187 : i32
      %swap3A_189 = arith.index_cast %mul3A_188 : i32 to index
      %swap3A_190 = tpu.vector_load %arg8[%swap3A_189] {strides = array<i32>} : memref<1024xf32, #tpu.memory_space<vmem>>, vector<16xf32>,
      tpu.vector_store %arg8[%swap3A_189], %gather3A_186 {strides = array<i32>} : memref<1024xf32, #tpu.memory_space<vmem>>, vector<16xf32>,
    }
    %scan3A_25 = arith.constant 32 : i32
    %add3A = arith.constant 512 : i32
    %add3A_26 = arith.addi %mul3A_0, %add3A : i32
    %dma_start3A_27 = arith.constant 512 : i32
    %dma_start3A_28 = tpu.memref_slice %arg8[%dma_start3A_27] : memref<1024xf32, #tpu.memory_space<vmem>> -> memref<512xf32, #tpu.memory_space<vmem>>
    %dma_start3A_29 = tpu.memref_slice %arg4[%add3A_26] : memref<16384xf32, #tpu.memory_space<hbm>> -> memref<512xf32, #tpu.memory_space<hbm>>
    %dma_start3A_30 = tpu.memref_slice %arg4[%add3A_26] : memref<16384xf32, #tpu.memory_space<hbm>> -> memref<512xf32, #tpu.memory_space<hbm>>
    %dma_start3A_31 = arith.constant 512 : i32
    %dma_start3A_32 = tpu.memref_slice %arg8[%dma_start3A_31] : memref<1024xf32, #tpu.memory_space<vmem>> -> memref<512xf32, #tpu.memory_space<vmem>>
    tpu.enqueue_dma source(%dma_start3A_32 : memref<512xf32, #tpu.memory_space<vmem>>) target(%dma_start3A_30 : memref<512xf32, #tpu.memory_space<hbm>>) target_semaphore(%arg11 : memref<!tpu.dma_semaphore, #tpu.memory_space<semaphore_mem>>)
    %dma_wait3A_33 = arith.constant 0 : i32
    %dma_wait3A_34 = tpu.memref_slice %arg8[%dma_wait3A_33] : memref<1024xf32, #tpu.memory_space<vmem>> -> memref<512xf32, #tpu.memory_space<vmem>>
    %dma_wait3A_35 = tpu.memref_slice %arg4[%mul3A_0] : memref<16384xf32, #tpu.memory_space<hbm>> -> memref<512xf32, #tpu.memory_space<hbm>>
    %dma_wait3A_36 = tpu.memref_slice %arg4[%mul3A_0] : memref<16384xf32, #tpu.memory_space<hbm>> -> memref<512xf32, #tpu.memory_space<hbm>>
    %dma_wait3A_37 = arith.constant 0 : i32
    %dma_wait3A_38 = tpu.memref_slice %arg8[%dma_wait3A_37] : memref<1024xf32, #tpu.memory_space<vmem>> -> memref<512xf32, #tpu.memory_space<vmem>>
    tpu.wait_dma2 semaphore(%arg11 : memref<!tpu.dma_semaphore, #tpu.memory_space<semaphore_mem>>) src(%dma_wait3A_38 : memref<512xf32, #tpu.memory_space<vmem>>) dst(%dma_wait3A_36 : memref<512xf32, #tpu.memory_space<hbm>>)
    %dma_wait3A_39 = arith.constant 512 : i32
    %dma_wait3A_40 = tpu.memref_slice %arg8[%dma_wait3A_39] : memref<1024xf32, #tpu.memory_space<vmem>> -> memref<512xf32, #tpu.memory_space<vmem>>
    %dma_wait3A_41 = tpu.memref_slice %arg4[%add3A_26] : memref<16384xf32, #tpu.memory_space<hbm>> -> memref<512xf32, #tpu.memory_space<hbm>>
    %dma_wait3A_42 = tpu.memref_slice %arg4[%add3A_26] : memref<16384xf32, #tpu.memory_space<hbm>> -> memref<512xf32, #tpu.memory_space<hbm>>
    %dma_wait3A_43 = arith.constant 512 : i32
    %dma_wait3A_44 = tpu.memref_slice %arg8[%dma_wait3A_43] : memref<1024xf32, #tpu.memory_space<vmem>> -> memref<512xf32, #tpu.memory_space<vmem>>
    tpu.wait_dma2 semaphore(%arg11 : memref<!tpu.dma_semaphore, #tpu.memory_space<semaphore_mem>>) src(%dma_wait3A_44 : memref<512xf32, #tpu.memory_space<vmem>>) dst(%dma_wait3A_42 : memref<512xf32, #tpu.memory_space<hbm>>)
    return
  }
}

</mosaic_0001>

<sc_bundles>
// kernel: kernel.3.cloned.1.call-start
scs
__scs_entry_jumppad:
0x0: {  	(pc) =	sbr.rel $0x88, $3  }
0x1: {  	(tag) =	ssettag $0x0;
	lr =	simm.s32 $0x1  }
0x2: {  	[smem:$0x3F9F] =	sst lr;
	_ =	strace $0xD0000000  }
0x3: {  	_ = 	snop  }
0x4: {  	_ = 	snop  }
0x5: {  	_ = 	snop  }
0x6: {  	_ = 	snop  }
0x7: {  	_ = 	snop  }
__scs_overlays_trampoline_lowered:
0x8: {  	[smem:$0x3FAE] =	sst s0  }
0x9: {  	[smem:$0x3FAF] =	sst s1  }
0xa: {  	[smem:$0x3FB0] =	sst s2  }
0xb: {  	[smem:$0x3FB1] =	sst s3  }
0xc: {  	[smem:$0x3FB2] =	sst s4  }
0xd: {  	[smem:$0x3FB3] =	sst s5  }
0xe: {  	[smem:$0x3FB4] =	sst s6  }
0xf: {  	[smem:$0x3FB5] =	sst s7  }
0x10: {  	[smem:$0x3FB6] =	sst s8  }
0x11: {  	[smem:$0x3FB7] =	sst s9;
	s0 =	simm.s32 @!p0 $0x0  }
0x12: {  	s1 =	sld [smem:$0x3F9D];
	s0 =	simm.s32 @p0 $0x1  }
0x13: {  	[smem:$0x3FB8] =	sst s0;
	s0 =	simm.s32 @!p1 $0x0  }
0x14: {  	s2 =	sld [smem:$0x3F9C];
	s0 =	simm.s32 @p1 $0x1  }
0x15: {  	[smem:$0x3FB9] =	sst s0;
	s0 =	simm.s32 @!p2 $0x0  }
0x16: {  	s3 =	sld [smem:$0x3FDB];
	s0 =	simm.s32 @p2 $0x1  }
0x17: {  	s4 =	simm.s32 $0x1BF5;
	[smem:$0x3FBB] =	sst s0  }
0x18: {  	s0 =	sld [smem:$0x3F9E];
	_ =	swait.ge [sflag:s4], $0x0  }
0x19: {  	s7 =	sld [smem:$0x3F9F]  }
0x1a: {  	s8 =	sadd.s32 $0xFFFFE003, lr  }
0x1b: {  	s9 =	sadd.s32 $0xFFFFFEF7, lr;
	s5 =	simm.s32 $0xFFFFFFFF;
	p2 =	slt.u32 s8, $0xFFFFF086  }
0x1c: {  	p1 =	slt.u32 s9, $0xF7A;
	s5 =	simm.s32 @!p2 $0x0  }
0x1d: {  	s5 =	simm.s32 @p1 $0x1;
	p0 =	seq.s32 s7, s2  }
0x1e: {  	s7 =	smul.u32 @!p0 $0xF7A, s2;
	p2 =	seq.s32 @!p0 s5, $0x0  }
0x1f: {  	s9 =	smul.u32 $0xF7A, s1;
	s8 =	simm.s32 @!p0 $0x1BF5;
	p2 =	por !p2, p0  }
0x20: {  	[sflag:s8] =	ssyncset.s32 @!p0 $0xFFFFF086;
	s6 =	sadd.s32 @!p0 s3, s7;
	s7 =	simm.s32 @!p0 $0x108  }
0x21: {  	s3 =	sadd.s32 s3, s9;
	s6 =	sadd.s32 @!p0 $0x88, s6;
	s7 =	simm.s32 @p2 $0x1082  }
0x22: {  	[simem:s7], [sflag:s8] =	dma.local @!p0 [hbm:s6], $0xF7A  }
0x23: {  	s9 =	sor.u32 $0xD0000000, s2;
	s6 =	simm.s32 $0x108;
	_ =	swait.ge @!p0 [sflag:s8], $0x0  }
0x24: {  	s3 =	sadd.s32 $0x88, s3;
	s6 =	simm.s32 @!p1 $0x1082;
	[sflag:s4] =	ssyncset.s32 $0xFFFFF086  }
0x25: {  	[simem:s6], [sflag:s4] =	dma.local [hbm:s3], $0xF7A  }
0x26: {  	[smem:$0x3F9F] =	sst s1;
	(tag) =	ssettag s2;
	_ =	strace s9  }
0x27: {  	s1 =	sld [smem:$0x3FAF]  }
0x28: {  	s2 =	sld [smem:$0x3FB0]  }
0x29: {  	s4 =	sld [smem:$0x3FB2]  }
0x2a: {  	p0 =	seq.s32 s5, $0x0;
	s5 =	sld [smem:$0x3FB3]  }
0x2b: {  	s6 =	sld [smem:$0x3FB4]  }
0x2c: {  	s7 =	sld [smem:$0x3FB5]  }
0x2d: {  	s3 =	simm.s32 $0x108;
	s8 =	sld [smem:$0x3FB6]  }
0x2e: {  	s3 =	simm.s32 @!p0 $0x1082;
	s9 =	sld [smem:$0x3FB7]  }
0x2f: {  	lr =	sadd.s32 s0, s3;
	s0 =	sld [smem:$0x3FAE]  }
0x30: {  	s3 =	sld [smem:$0x3FB1]  }
0x31: {  	[smem:$0x3FBA] =	sst s10  }
0x32: {  	s10 =	sld [smem:$0x3FB8];
	_ =	sdelay $0x3  }
0x33: {  	p0 =	seq.s32 s10, $0x1;
	s10 =	sld [smem:$0x3FBA];
	_ =	sdelay $0x3  }
0x34: {  	[smem:$0x3FBA] =	sst s10  }
0x35: {  	s10 =	sld [smem:$0x3FB9];
	_ =	sdelay $0x3  }
0x36: {  	p1 =	seq.s32 s10, $0x1;
	s10 =	sld [smem:$0x3FBA];
	_ =	sdelay $0x3  }
0x37: {  	[smem:$0x3FBA] =	sst s10  }
0x38: {  	s10 =	sld [smem:$0x3FBB]  }
0x39: {  	_ = 	snop;
	(pc) =	sbr.ind lr, $3  }
0x3a: {  	_ = 	snop  }
0x3b: {  	_ = 	snop  }
0x3c: {  	p2 =	seq.s32 s10, $0x1;
	s10 =	sld [smem:$0x3FBA]  }
0x3d: {  	_ =	shalt  }
0x3e: {  	_ =	shalt  }
0x3f: {  	_ =	shalt  }
0x40: {  	_ =	shalt  }
0x41: {  	_ =	shalt  }
0x42: {  	_ =	shalt  }
0x43: {  	_ =	shalt  }
0x44: {  	_ =	shalt  }
0x45: {  	_ =	shalt  }
0x46: {  	_ =	shalt  }
0x47: {  	_ =	shalt  }
0x48: {  	_ =	shalt  }
0x49: {  	_ =	shalt  }
0x4a: {  	_ =	shalt  }
0x4b: {  	_ =	shalt  }
0x4c: {  	_ =	shalt  }
0x4d: {  	_ =	shalt  }
0x4e: {  	_ =	shalt  }
0x4f: {  	_ =	shalt  }
0x50: {  	_ =	shalt  }
0x51: {  	_ =	shalt  }
0x52: {  	_ =	shalt  }
0x53: {  	_ =	shalt  }
0x54: {  	_ =	shalt  }
0x55: {  	_ =	shalt  }
0x56: {  	_ =	shalt  }
0x57: {  	_ =	shalt  }
0x58: {  	_ =	shalt  }
0x59: {  	_ =	shalt  }
0x5a: {  	_ =	shalt  }
0x5b: {  	_ =	shalt  }
0x5c: {  	_ =	shalt  }
0x5d: {  	_ =	shalt  }
0x5e: {  	_ =	shalt  }
0x5f: {  	_ =	shalt  }
0x60: {  	_ =	shalt  }
0x61: {  	_ =	shalt  }
0x62: {  	_ =	shalt  }
0x63: {  	_ =	shalt  }
0x64: {  	_ =	shalt  }
0x65: {  	_ =	shalt  }
0x66: {  	_ =	shalt  }
0x67: {  	_ =	shalt  }
0x68: {  	_ =	shalt  }
0x69: {  	_ =	shalt  }
0x6a: {  	_ =	shalt  }
0x6b: {  	_ =	shalt  }
0x6c: {  	_ =	shalt  }
0x6d: {  	_ =	shalt  }
0x6e: {  	_ =	shalt  }
0x6f: {  	_ =	shalt  }
0x70: {  	_ =	shalt  }
0x71: {  	_ =	shalt  }
0x72: {  	_ =	shalt  }
0x73: {  	_ =	shalt  }
0x74: {  	_ =	shalt  }
0x75: {  	_ =	shalt  }
0x76: {  	_ =	shalt  }
0x77: {  	_ =	shalt  }
0x78: {  	_ =	shalt  }
0x79: {  	_ =	shalt  }
0x7a: {  	_ =	shalt  }
0x7b: {  	_ =	shalt  }
0x7c: {  	_ =	shalt  }
0x7d: {  	_ =	shalt  }
0x7e: {  	_ =	shalt  }
0x7f: {  	_ =	shalt  }
0x80: {  	_ =	shalt  }
0x81: {  	_ =	shalt  }
0x82: {  	_ =	shalt  }
0x83: {  	_ =	shalt  }
0x84: {  	_ =	shalt  }
0x85: {  	_ =	shalt  }
0x86: {  	_ =	shalt  }
0x87: {  	_ =	shalt  }
.Lfunc_end0:
.L_simem_size_0:
called_computation_lowered:
.L_overlay_start_0:
0x88: {  	s0 =	sld [smem:$0x3FD9]  }
0x89: {  	s1 =	sld [smem:$0x3FFE];
	_ =	sdelay $0x3  }
0x8a: {  	s0 =	sadd.s32 s1, s0  }
0x8b: {  	[smem:$0x3FC6] =	sst s0  }
0x8c: {  	_ = 	snop  }
0x8d: {  	s0 =	sld [smem:$0x3FC9]  }
0x8e: {  	s17 =	sld [smem:$0x3FC8]  }
0x8f: {  	s2 =	sld [smem:$0x3FD0];
	(tm) =	ssettm $0x1  }
0x90: {  	s3 =	sld [smem:$0x3FFB];
	_ =	sdelay $0x3  }
0x91: {  	_ =	strace s3  }
0x92: {  	s3 =	sld [smem:$0x3FFC];
	_ =	sdelay $0x3  }
0x93: {  	_ =	strace s3  }
0x94: {  	s3 =	sld [smem:$0x3FFD];
	_ =	sdelay $0x3  }
0x95: {  	_ =	strace s3  }
0x96: {  	_ =	strace $0x8FFFFFFF  }
0x97: {  	s18 =	sld [smem:$0x3FDB];
	_ =	sdelay $0x1  }
0x98: {  	s4 =	simm.s32 $_scs_section_size  }
0x99: {  	s5 =	simm.s32 $_size__tile_overlayer_lowered;
	s6 =	simm.s32 $_tile_overlayer_lowered  }
0x9a: {  	s21 =	simm.s32 $0x1BFF;
	s20 =	sshll.u32 s6, $0x1;
	s3 =	sadd.s32 s4, s18  }
0x9b: {  	s7 =	simm.s32 $0x0;
	s19 =	sshll.u32 s5, $0x1;
	s5 =	sadd.s32 s20, s3  }
0x9c: {  	[timem:s7], [sflag:s21] =	dma.local [hbm:s5], s19  }
0x9d: {  	_ =	swait.ge [sflag:s21], s19  }
0x9e: {  	s4 =	ssub.s32 $0x0, s19;
	[sflag:s21] =	ssyncset.done $0x0  }
0x9f: {  	[sflag:s21] =	ssyncadd.s32 s4;
	_ =	sdelay $0x1  }
0xa0: {  	s22 =	simm.s32 $0x1B8B  }
0xa1: {  	_ =	swait.ge [sflag:s22], $0x1  }
0xa2: {  	[sflag:s22] =	ssyncset.done $0x0  }
0xa3: {  	s23 =	simm.s32 $0x1B8E;
	[sflag:s22] =	ssyncadd.s32 $0xFFFFFFFF  }
0xa4: {  	s24 =	simm.s32 $execute0_lowered;
	[smem:$0x3FD2] =	sst s23  }
0xa5: {  	s4 =	sshll.u32 s24, $0x1;
	_ =	strace $0x80000046;
	[dreg:$0x1] =	wrdreg $0xFFFFFFFF  }
0xa6: {  	s25 =	simm.s32 $_size_execute0_lowered;
	s3 =	sadd.s32 s3, s4;
	[dreg:$0x0] =	wrdreg $0x0  }
0xa7: {  	s4 =	sshll.u32 s25, $0x1;
	[dreg:$0x2] =	wrdreg s3  }
0xa8: {  	[dreg:$0x3] =	wrdreg s4  }
0xa9: {  	[dreg:$0x4] =	wrdreg $0xC0  }
0xaa: {  	_ =	task [dreg:s7], $0x5FFFF  }
0xab: {  	[dreg:$0x1] =	wrdreg $0xFFFFFFFF  }
0xac: {  	[dreg:$0x0] =	wrdreg $0x60  }
0xad: {  	[dreg:$0x2] =	wrdreg s0  }
0xae: {  	[dreg:$0x3] =	wrdreg s17  }
0xaf: {  	[dreg:$0x4] =	wrdreg s2  }
0xb0: {  	[dreg:$0x5] =	wrdreg $0x3F00  }
0xb1: {  	[dreg:$0x6] =	wrdreg $0x9  }
0xb2: {  	_ =	task.clear_ibuf [dreg:s7], $0x7FFFF;
	_ =	strace $0x90000046  }
0xb3: {  	s26 =	simm.s32 $0x9;
	_ =	strace $0x80000048  }
0xb4: {  	_ =	swait.ge [sflag:s26], $0x1  }
0xb5: {  	[sflag:s26] =	ssyncadd.s32 $0xFFFFFFFF  }
0xb6: {  	_ =	strace $0x90000048  }
0xb7: {  	_ =	sfence  }
0xb8: {  	s28 =	sld [smem:$0x0];
	_ =	sdelay $0x1  }
0xb9: {  	s29 =	srdreg.scid  }
0xba: {  	s30 =	sshll.u32 s29, $0xD;
	s31 =	sshrl.u32 s29, $0x2  }
0xbb: {  	s1 =	sand.u32 $0x1, s29;
	s2 =	sand.u32 $0x4000, s30;
	s0 =	sadd.s32 s31, s28  }
0xbc: {  	s1 =	sor.u32 s2, s1;
	s0 =	sshll.u32 s0, $0x11  }
0xbd: {  	s0 =	sor.u32 s0, s1  }
0xbe: {  	s0 =	sadd.s32 $0x8F2B, s0  }
0xbf: {  	[sflag:s0] =	ssyncadd.remote.s32 $0x1  }
0xc0: {  	_ =	sfence.sel $0xFFFF  }
0xc1: {  	[dreg:$0x0] =	wrdreg $0xFFFFFFFF;
	(pc) =	sbr.abs _section_cstart, $3  }
0xc2: {  	[dreg:$0x1] =	wrdreg $0xFFFFFFFF  }
0xc3: {  	_ =	task.clear_ibuf [dreg:s7], $0x2FFFF;
	_ =	strace $0x9FFFFFFF  }
0xc4: {  	(tm) =	ssettm $0x7FFFFFFF  }
0xc5: {  	_ =	shalt  }
tec
execute0_lowered:
.L_overlay_start_1:
0x0: {  	(tag) =	ssettag $0x1  }
0x1: {  	s1 =	rddreg [dreg:$0x0]  }
0x2: {  	s3 =	rddreg [dreg:$0x1]  }
0x3: {  	s4 =	rddreg [dreg:$0x2]  }
0x4: {  	s5 =	rddreg [dreg:$0x3]  }
0x5: {  	s0 =	rddreg [dreg:$0x4];
	s2 =	simm.s32 $0x0;
	s6 =	stileid.u32  }
0x6: {  	s29 =	simm.s32 $0x430;
	[smem:$0x7FF] =	sst s2;
	s7 =	sshll.u32 s6, $0x7  }
0x7: {  	p0 =	sne.s32 s6, $0x0;
	_ =	strace $0x80000047;
	s1 =	sadd.s32 s1, s7  }
0x8: {  	[tilespmem:s29], [sflag:$0x2] =	stream.linear.gather [hbm4b:s1+s2], $0x400, $0x38;
	[tilespmem:$0xC30] =	vst v63  }
0x9: {  	s6 =	simm.s32 @!p0 $0x1C04;
	s1 =	sshrl.u32 @!p0 s5, $0x3  }
0xa: {  	[spmem:s1], [sflag:s6] =	dma.local @!p0 [hbm:s3], $0x7E  }
0xb: {  	s1 =	simm.s32 @!p0 $0x4  }
0xc: {  	_ =	swait.ge @!p0 [sflag:s1], $0x7E  }
0xd: {  	[sflag:s1] =	ssyncset.done @!p0 $0x0  }
0xe: {  	[sflag:s1] =	ssyncadd.s32 @!p0 $0xFFFFFF82  }
0xf: {  	s30 =	simm.s32 $0x1;
	[bflag:$0x0] =	sbarrier.arrive $0xFFFF  }
0x10: {  	[tilespmem:s2], [sflag:$0x1] =	stream.linear.gather [spmem:s5], $0x3F0, $0x38;
	[tilespmem:$0xC30] =	vst v63  }
0x11: {  	_ =	swait.ge [sflag:s30], $0x3F0  }
0x12: {  	[sflag:s30] =	ssyncset.done $0x0  }
0x13: {  	s31 =	simm.s32 $0x2;
	[sflag:s30] =	ssyncadd.s32 $0xFFFFFC10  }
0x14: {  	s3 =	sadd.s32 s4, s7;
	_ =	swait.ge [sflag:s31], $0x400  }
0x15: {  	s4 =	simm.s32 $0xFFFFFFF8;
	s6 =	simm.s32 $0x870;
	[sflag:s31] =	ssyncset.done $0x0  }
0x16: {  	s1 =	sadd.s32 $0x40, s3;
	s5 =	simm.s32 $0x470;
	[sflag:s31] =	ssyncadd.s32 $0xFFFFFC00  }
.LBB2_1:
0x17: {  	v0 =	vld [tilespmem:s5+$0xFFFFFFC0];
	_ =	sdelay $0x4  }
0x18: {  	v0 =	vmul.f32 $1.000000000e+03, v0;
	_ =	sdelay $0x1  }
0x19: {  	v0 =	vadd.f32 $8.388608000e+06, v0;
	_ =	sdelay $0x1  }
0x1a: {  	v0 =	vadd.s32 $0xB5000000, v0;
	_ =	sdelay $0x4  }
0x1b: {  	v0 =	vld.idx.msk [tilespmem:v0+s2+$0x0], $0xffff;
	_ =	sdelay $0x4  }
0x1c: {  	[tilespmem:s6+$0xFFFFFFC0] =	vst v0  }
0x1d: {  	v0 =	vld [tilespmem:s5+$0xFFFFFFD0];
	_ =	sdelay $0x4  }
0x1e: {  	v0 =	vmul.f32 $1.000000000e+03, v0;
	_ =	sdelay $0x1  }
0x1f: {  	v0 =	vadd.f32 $8.388608000e+06, v0;
	_ =	sdelay $0x1  }
0x20: {  	v0 =	vadd.s32 $0xB5000000, v0;
	_ =	sdelay $0x4  }
0x21: {  	v0 =	vld.idx.msk [tilespmem:v0+s2+$0x0], $0xffff;
	_ =	sdelay $0x4  }
0x22: {  	[tilespmem:s6+$0xFFFFFFD0] =	vst v0  }
0x23: {  	v0 =	vld [tilespmem:s5+$0xFFFFFFE0];
	_ =	sdelay $0x4  }
0x24: {  	v0 =	vmul.f32 $1.000000000e+03, v0;
	_ =	sdelay $0x1  }
0x25: {  	v0 =	vadd.f32 $8.388608000e+06, v0;
	_ =	sdelay $0x1  }
0x26: {  	v0 =	vadd.s32 $0xB5000000, v0;
	_ =	sdelay $0x4  }
0x27: {  	v0 =	vld.idx.msk [tilespmem:v0+s2+$0x0], $0xffff;
	_ =	sdelay $0x4  }
0x28: {  	[tilespmem:s6+$0xFFFFFFE0] =	vst v0  }
0x29: {  	v0 =	vld [tilespmem:s5+$0xFFFFFFF0];
	_ =	sdelay $0x4  }
0x2a: {  	v0 =	vmul.f32 $1.000000000e+03, v0;
	_ =	sdelay $0x1  }
0x2b: {  	v0 =	vadd.f32 $8.388608000e+06, v0;
	_ =	sdelay $0x1  }
0x2c: {  	v0 =	vadd.s32 $0xB5000000, v0;
	_ =	sdelay $0x4  }
0x2d: {  	v0 =	vld.idx.msk [tilespmem:v0+s2+$0x0], $0xffff;
	_ =	sdelay $0x4  }
0x2e: {  	[tilespmem:s6+$0xFFFFFFF0] =	vst v0  }
0x2f: {  	v0 =	vld [tilespmem:s5+$0x0];
	_ =	sdelay $0x4  }
0x30: {  	v0 =	vmul.f32 $1.000000000e+03, v0;
	_ =	sdelay $0x1  }
0x31: {  	v0 =	vadd.f32 $8.388608000e+06, v0;
	_ =	sdelay $0x1  }
0x32: {  	v0 =	vadd.s32 $0xB5000000, v0;
	_ =	sdelay $0x4  }
0x33: {  	v0 =	vld.idx.msk [tilespmem:v0+s2+$0x0], $0xffff;
	_ =	sdelay $0x4  }
0x34: {  	[tilespmem:s6+$0x0] =	vst v0  }
0x35: {  	v0 =	vld [tilespmem:s5+$0x10];
	_ =	sdelay $0x4  }
0x36: {  	v0 =	vmul.f32 $1.000000000e+03, v0;
	_ =	sdelay $0x1  }
0x37: {  	v0 =	vadd.f32 $8.388608000e+06, v0;
	_ =	sdelay $0x1  }
0x38: {  	v0 =	vadd.s32 $0xB5000000, v0;
	_ =	sdelay $0x4  }
0x39: {  	v0 =	vld.idx.msk [tilespmem:v0+s2+$0x0], $0xffff;
	_ =	sdelay $0x4  }
0x3a: {  	[tilespmem:s6+$0x10] =	vst v0  }
0x3b: {  	v0 =	vld [tilespmem:s5+$0x20];
	_ =	sdelay $0x4  }
0x3c: {  	v0 =	vmul.f32 $1.000000000e+03, v0;
	_ =	sdelay $0x1  }
0x3d: {  	v0 =	vadd.f32 $8.388608000e+06, v0;
	_ =	sdelay $0x1  }
0x3e: {  	v0 =	vadd.s32 $0xB5000000, v0;
	_ =	sdelay $0x4  }
0x3f: {  	v0 =	vld.idx.msk [tilespmem:v0+s2+$0x0], $0xffff;
	_ =	sdelay $0x4  }
0x40: {  	[tilespmem:s6+$0x20] =	vst v0  }
0x41: {  	v0 =	vld [tilespmem:s5+$0x30];
	_ =	sdelay $0x4  }
0x42: {  	v0 =	vmul.f32 $1.000000000e+03, v0;
	_ =	sdelay $0x1  }
0x43: {  	v0 =	vadd.f32 $8.388608000e+06, v0;
	_ =	sdelay $0x1  }
0x44: {  	v0 =	vadd.s32 $0xB5000000, v0;
	_ =	sdelay $0x3  }
0x45: {  	s4 =	sadd.s32 $0x8, s4  }
0x46: {  	p1 =	slt.u32 s4, $0x18;
	v0 =	vld.idx.msk [tilespmem:v0+s2+$0x0], $0xffff  }
.Ltmp0:
0x47: {  	_ = 	snop;
	(pc) =	sbr.rel @p1 .LBB2_1-.Ltmp0, $2  }
0x48: {  	_ =	sdelay $0x2  }
0x49: {  	s5 =	sadd.s32 $0x80, s5;
	[tilespmem:s6+$0x30] =	vst v0;
	s6 =	sadd.s32 $0x80, s6  }
0x4a: {  	s2 =	simm.s32 $0x0;
	s4 =	simm.s32 $0x830  }
0x4b: {  	[hbm4b:s3+s2] =	stream.linear.scatter [tilespmem:s4], [sflag:$0x3], $0x200, $0x38;
	[tilespmem:$0xC30] =	vst v63  }
0x4c: {  	s5 =	simm.s32 $0xAA0;
	s3 =	simm.s32 $0x18;
	s4 =	simm.s32 $0x6A0  }
.LBB2_3:
0x4d: {  	v0 =	vld [tilespmem:s4+$0xFFFFFF90];
	_ =	sdelay $0x4  }
0x4e: {  	v0 =	vmul.f32 $1.000000000e+03, v0;
	_ =	sdelay $0x1  }
0x4f: {  	v0 =	vadd.f32 $8.388608000e+06, v0;
	_ =	sdelay $0x1  }
0x50: {  	v0 =	vadd.s32 $0xB5000000, v0;
	_ =	sdelay $0x4  }
0x51: {  	v0 =	vld.idx.msk [tilespmem:v0+s2+$0x0], $0xffff;
	_ =	sdelay $0x4  }
0x52: {  	[tilespmem:s5+$0xFFFFFF90] =	vst v0  }
0x53: {  	v0 =	vld [tilespmem:s4+$0xFFFFFFA0];
	_ =	sdelay $0x4  }
0x54: {  	v0 =	vmul.f32 $1.000000000e+03, v0;
	_ =	sdelay $0x1  }
0x55: {  	v0 =	vadd.f32 $8.388608000e+06, v0;
	_ =	sdelay $0x1  }
0x56: {  	v0 =	vadd.s32 $0xB5000000, v0;
	_ =	sdelay $0x4  }
0x57: {  	v0 =	vld.idx.msk [tilespmem:v0+s2+$0x0], $0xffff;
	_ =	sdelay $0x4  }
0x58: {  	[tilespmem:s5+$0xFFFFFFA0] =	vst v0  }
0x59: {  	v0 =	vld [tilespmem:s4+$0xFFFFFFB0];
	_ =	sdelay $0x4  }
0x5a: {  	v0 =	vmul.f32 $1.000000000e+03, v0;
	_ =	sdelay $0x1  }
0x5b: {  	v0 =	vadd.f32 $8.388608000e+06, v0;
	_ =	sdelay $0x1  }
0x5c: {  	v0 =	vadd.s32 $0xB5000000, v0;
	_ =	sdelay $0x4  }
0x5d: {  	v0 =	vld.idx.msk [tilespmem:v0+s2+$0x0], $0xffff;
	_ =	sdelay $0x4  }
0x5e: {  	[tilespmem:s5+$0xFFFFFFB0] =	vst v0  }
0x5f: {  	v0 =	vld [tilespmem:s4+$0xFFFFFFC0];
	_ =	sdelay $0x4  }
0x60: {  	v0 =	vmul.f32 $1.000000000e+03, v0;
	_ =	sdelay $0x1  }
0x61: {  	v0 =	vadd.f32 $8.388608000e+06, v0;
	_ =	sdelay $0x1  }
0x62: {  	v0 =	vadd.s32 $0xB5000000, v0;
	_ =	sdelay $0x4  }
0x63: {  	v0 =	vld.idx.msk [tilespmem:v0+s2+$0x0], $0xffff;
	_ =	sdelay $0x4  }
0x64: {  	[tilespmem:s5+$0xFFFFFFC0] =	vst v0  }
0x65: {  	v0 =	vld [tilespmem:s4+$0xFFFFFFD0];
	_ =	sdelay $0x4  }
0x66: {  	v0 =	vmul.f32 $1.000000000e+03, v0;
	_ =	sdelay $0x1  }
0x67: {  	v0 =	vadd.f32 $8.388608000e+06, v0;
	_ =	sdelay $0x1  }
0x68: {  	v0 =	vadd.s32 $0xB5000000, v0;
	_ =	sdelay $0x4  }
0x69: {  	v0 =	vld.idx.msk [tilespmem:v0+s2+$0x0], $0xffff;
	_ =	sdelay $0x4  }
0x6a: {  	[tilespmem:s5+$0xFFFFFFD0] =	vst v0  }
0x6b: {  	v0 =	vld [tilespmem:s4+$0xFFFFFFE0];
	_ =	sdelay $0x4  }
0x6c: {  	v0 =	vmul.f32 $1.000000000e+03, v0;
	_ =	sdelay $0x1  }
0x6d: {  	v0 =	vadd.f32 $8.388608000e+06, v0;
	_ =	sdelay $0x1  }
0x6e: {  	v0 =	vadd.s32 $0xB5000000, v0;
	_ =	sdelay $0x4  }
0x6f: {  	v0 =	vld.idx.msk [tilespmem:v0+s2+$0x0], $0xffff;
	_ =	sdelay $0x4  }
0x70: {  	[tilespmem:s5+$0xFFFFFFE0] =	vst v0  }
0x71: {  	v0 =	vld [tilespmem:s4+$0xFFFFFFF0];
	_ =	sdelay $0x4  }
0x72: {  	v0 =	vmul.f32 $1.000000000e+03, v0;
	_ =	sdelay $0x1  }
0x73: {  	v0 =	vadd.f32 $8.388608000e+06, v0;
	_ =	sdelay $0x1  }
0x74: {  	v0 =	vadd.s32 $0xB5000000, v0;
	_ =	sdelay $0x4  }
0x75: {  	v0 =	vld.idx.msk [tilespmem:v0+s2+$0x0], $0xffff;
	_ =	sdelay $0x4  }
0x76: {  	[tilespmem:s5+$0xFFFFFFF0] =	vst v0  }
0x77: {  	v0 =	vld [tilespmem:s4+$0x0];
	_ =	sdelay $0x4  }
0x78: {  	v0 =	vmul.f32 $1.000000000e+03, v0;
	_ =	sdelay $0x1  }
0x79: {  	v0 =	vadd.f32 $8.388608000e+06, v0;
	_ =	sdelay $0x1  }
0x7a: {  	v0 =	vadd.s32 $0xB5000000, v0;
	_ =	sdelay $0x3  }
0x7b: {  	s3 =	sadd.s32 $0x8, s3  }
0x7c: {  	p1 =	slt.u32 s3, $0x38;
	v0 =	vld.idx.msk [tilespmem:v0+s2+$0x0], $0xffff  }
.Ltmp1:
0x7d: {  	_ = 	snop;
	(pc) =	sbr.rel @p1 .LBB2_3-.Ltmp1, $2  }
0x7e: {  	_ =	sdelay $0x2  }
0x7f: {  	s4 =	sadd.s32 $0x80, s4;
	[tilespmem:s5+$0x0] =	vst v0;
	s5 =	sadd.s32 $0x80, s5  }
0x80: {  	s2 =	simm.s32 $0x0;
	s3 =	simm.s32 $0xA30;
	s31 =	simm.s32 $0x3  }
0x81: {  	[hbm4b:s1+s2] =	stream.linear.scatter [tilespmem:s3], [sflag:$0x3], $0x200, $0x38;
	[tilespmem:$0xC30] =	vst v63  }
0x82: {  	_ =	swait.ge [sflag:s31], $0x200  }
0x83: {  	[sflag:s31] =	ssyncset.done $0x0  }
0x84: {  	[sflag:s31] =	ssyncadd.s32 $0xFFFFFE00  }
0x85: {  	_ =	swait.ge [sflag:s31], $0x200  }
0x86: {  	[sflag:s31] =	ssyncset.done $0x0  }
0x87: {  	[sflag:s31] =	ssyncadd.s32 $0xFFFFFE00  }
0x88: {  	_ =	sfence.sel $0x180000  }
0x89: {  	[bflag:$0x0] =	sbarrier.arrive $0xFFFF  }
0x8a: {  	_ =	strace $0x90000047  }
0x8b: {  	s0 =	sadd.s32 @!p0 $0x100000, s0;
	[bflag:$0x2] =	sbarrier.arrive $0xFFFF  }
0x8c: {  	[sflag:s0] =	ssyncadd.tile.s32 @!p0 $0x1;
	_ =	shalt  }
.Lfunc_end2:
_tile_overlayer_lowered:
.L_overlay_start_2:
0x8d: {  	(tag) =	ssettag $0x2  }
0x8e: {  	s0 =	rddreg [dreg:$0x0];
	s2 =	stileid.u32  }
0x8f: {  	s1 =	rddreg [dreg:$0x1];
	p0 =	sne.s32 s2, $0x0  }
0x90: {  	s3 =	rddreg [dreg:$0x2];
	[bflag:$0x3] =	sbarrier.arrive $0xFFFF;
	s2 =	simm.s32 @!p0 $0x1C04  }
0x91: {  	[timem:s3], [sflag:s2] =	dma.local @!p0 [hbm:s0], s1  }
0x92: {  	s0 =	simm.s32 @!p0 $0x4  }
0x93: {  	_ =	swait.ge @!p0 [sflag:s0], s1  }
0x94: {  	s1 =	ssub.s32 @!p0 $0x0, s1;
	[sflag:s0] =	ssyncset.done @!p0 $0x0  }
0x95: {  	[sflag:s0] =	ssyncadd.s32 @!p0 s1  }
0x96: {  	[bflag:$0x3] =	sbarrier.arrive $0xFFFF  }
0x97: {  	_ =	shalt  }

</sc_bundles>
